<compile_context>
chip_gen: v7x
topology: tpu7x:2x2x1
jax: 0.10.2.dev20260603
libtpu: 0.0.44.dev20260713+nightly
codegen_flags: <defaults>
</compile_context>

<pallas_src>
import jax
import jax.numpy as jnp
from jax import lax
from jax.experimental import pallas as pl
from jax.experimental.pallas import tpu as pltpu

G = 16
N2 = 32
T = G * G
C = 3
N2K = C * N2 * N2
NB = 8
MAXFIX = 256


def _patch_kernel(x_ref, out_ref):
    nb = x_ref.shape[2] // N2
    x = x_ref[0]
    y = x.reshape(C, nb, N2, G, N2).transpose(1, 3, 0, 2, 4).reshape(nb * G, N2K)
    out_ref[0] = y


def _fix_kernel(rows_ref, cnt_ref, repl_ref, _, out_ref, sem):
    cnt = cnt_ref[0, 0]

    def start(k, carry):
        pltpu.make_async_copy(
            repl_ref, out_ref.at[pl.ds(rows_ref[0, k], 1), :], sem
        ).start()
        return carry

    def drain(k, carry):
        pltpu.make_async_copy(
            repl_ref, out_ref.at[pl.ds(0, 1), :], sem
        ).wait()
        return carry

    lax.fori_loop(0, cnt, start, 0)
    lax.fori_loop(0, cnt, drain, 0)


def kernel(X):
    b = X.shape[0]
    k1, k2 = jax.random.split(jax.random.key(1))
    idx = jax.random.bernoulli(k1, 1.0 / T, (b * T,))
    repl = jnp.tanh(jax.random.normal(k2, (N2K,), dtype=jnp.float32))

    patched = pl.pallas_call(
        _patch_kernel,
        grid=(b, G // NB),
        in_specs=[
            pl.BlockSpec((1, C, NB * N2, G * N2), lambda i, j: (i, 0, j, 0)),
        ],
        out_specs=pl.BlockSpec((1, NB * G, N2K), lambda i, j: (i, j, 0)),
        out_shape=jax.ShapeDtypeStruct((b, T, N2K), jnp.float32),
    )(X)

    rows = jnp.nonzero(idx, size=MAXFIX, fill_value=0)[0]
    rows2 = rows.astype(jnp.int32).reshape(1, MAXFIX)
    cnt2 = jnp.sum(idx).astype(jnp.int32).reshape(1, 1)

    out = pl.pallas_call(
        _fix_kernel,
        in_specs=[
            pl.BlockSpec(memory_space=pltpu.MemorySpace.SMEM),
            pl.BlockSpec(memory_space=pltpu.MemorySpace.SMEM),
            pl.BlockSpec(memory_space=pltpu.MemorySpace.VMEM),
            pl.BlockSpec(memory_space=pl.ANY),
        ],
        out_specs=pl.BlockSpec(memory_space=pl.ANY),
        out_shape=jax.ShapeDtypeStruct((b * T, N2K), jnp.float32),
        scratch_shapes=[pltpu.SemaphoreType.DMA],
        input_output_aliases={3: 0},
    )(rows2, cnt2, repl.reshape(1, N2K), patched.reshape(b * T, N2K))

    return out.reshape(b, T, N2K), idx

# --- scband reference (transcript-rebuilt; emitter-appended) ---
"""Pipeline reference for scband-masked-encoder-19078244729309 (READ-ONLY COPY).

The authoritative reference and input builder live on the scoring server;
editing this copy changes nothing except your own understanding.
"""

import jax, jax.numpy as jnp
import numpy as np

G = 16
IMAGE_N = 512
N2 = IMAGE_N // G  # 32
T = G * G          # 256
C = 3
N2K = C * N2 * N2  # 3072 (CROP=0 so crop is identity)
B = 64


def setup_inputs(seed: int = 0) -> dict:
    key = jax.random.key(seed)
    X = jax.random.normal(key, (B, C, IMAGE_N, IMAGE_N), dtype=jnp.float32)
    return {"X": X}


def reference(X):
    b = X.shape[0]
    # torch unfold(2,N2,N2).unfold(3,N2,N2): [B,C,G,G,N2,N2] with window dims last
    Xp = X.reshape(b, C, G, N2, G, N2).transpose(0, 1, 2, 4, 3, 5)
    # CROP=0 -> identity crop
    # flatten(2,3): [B,C,T,N2,N2]
    Xp = Xp.reshape(b, C, T, N2, N2)
    # transpose(1,2): [B,T,C,N2,N2]
    Xp = Xp.transpose(0, 2, 1, 3, 4)
    # flatten(2,4) then view(B*T, N2K)
    Xp = Xp.reshape(b * T, N2K)
    # Binomial(1, 1/T) sample of shape (B*T, 1) -> bool ravel -> (B*T,)
    k1, k2 = jax.random.split(jax.random.key(1))
    idx = jax.random.bernoulli(k1, 1.0 / T, (b * T,))
    # single tanh(randn(N2K)) row broadcast to all masked rows (scatter-overwrite)
    repl = jnp.tanh(jax.random.normal(k2, (N2K,), dtype=jnp.float32))
    Xm = jnp.where(idx[:, None], repl[None, :], Xp)
    Xm = Xm.reshape(b, T, N2K)
    return Xm, idx

if __name__ == "__main__":
    import jax
    _d = setup_inputs()
    print(jax.jit(kernel)(*tuple(_d.values())))

</pallas_src>

<mosaic_0001>
module attributes {stable_mosaic.version = 14 : i64} {
  func.func @_patch_kernel(%arg0: i32, %arg1: i32, %arg2: memref<1x3x256x512xf32, #tpu.memory_space<vmem>>, %arg3: memref<1x128x3072xf32, #tpu.memory_space<vmem>>) attributes {dimension_semantics = [#tpu.dimension_semantics<arbitrary>, #tpu.dimension_semantics<arbitrary>], iteration_bounds = array<i64: 64, 2>, scalar_prefetch = 0 : i64, scratch_operands = 0 : i64, tpu.core_type = #tpu.core_type<tc>, window_params = [{transform_indices = @transform_0, window_bounds = array<i64: 1, 3, 256, 512>}, {transform_indices = @transform_1, window_bounds = array<i64: 1, 128, 3072>}]} {
    %get3A = arith.constant 0 : index
    %get3A_0 = arith.constant 0 : index
    %get3A_1 = arith.constant 0 : index
    %get3A_2 = arith.constant 0 : index
    %get3A_3 = vector.load %arg2[%get3A, %get3A_0, %get3A_1, %get3A_2] : memref<1x3x256x512xf32, #tpu.memory_space<vmem>>, vector<1x3x256x512xf32>
    %get3A_4 = vector.shape_cast %get3A_3 : vector<1x3x256x512xf32> to vector<3x256x512xf32>
    %reshape3A = vector.shape_cast %get3A_4 : vector<3x256x512xf32> to vector<3x8x32x16x32xf32>
    %transpose3A = tpu.transpose %reshape3A, [1, 3, 0, 2, 4] : vector<3x8x32x16x32xf32> -> vector<8x16x3x32x32xf32>
    %reshape3A_5 = vector.shape_cast %transpose3A : vector<8x16x3x32x32xf32> to vector<128x3072xf32>
    %swap3A = arith.constant 0 : index
    %swap3A_6 = arith.constant 0 : index
    %swap3A_7 = arith.constant 0 : index
    %swap3A_8 = vector.load %arg3[%swap3A, %swap3A_6, %swap3A_7] : memref<1x128x3072xf32, #tpu.memory_space<vmem>>, vector<1x128x3072xf32>
    %swap3A_9 = vector.shape_cast %swap3A_8 : vector<1x128x3072xf32> to vector<128x3072xf32>
    %swap3A_10 = vector.shape_cast %reshape3A_5 : vector<128x3072xf32> to vector<1x128x3072xf32>
    tpu.vector_store %arg3[%swap3A, %swap3A_6, %swap3A_7], %swap3A_10 {strides = array<i32>} : memref<1x128x3072xf32, #tpu.memory_space<vmem>>, vector<1x128x3072xf32>,
    return
  }
  func.func @transform_0(%arg0: i32, %arg1: i32) -> (i32, i32, i32, i32) {
    %c0_i32 = arith.constant 0 : i32
    %c0_i32_0 = arith.constant 0 : i32
    %c0_i32_1 = arith.constant 0 : i32
    return %arg0, %c0_i32, %arg1, %c0_i32_0 : i32, i32, i32, i32
  }
  func.func @transform_1(%arg0: i32, %arg1: i32) -> (i32, i32, i32) {
    %c0_i32 = arith.constant 0 : i32
    %c0_i32_0 = arith.constant 0 : i32
    return %arg0, %arg1, %c0_i32 : i32, i32, i32
  }
}

module attributes {stable_mosaic.version = 14 : i64} {
  func.func @_fix_kernel(%arg0: memref<1x256xi32, #tpu.memory_space<smem>>, %arg1: memref<1x1xi32, #tpu.memory_space<smem>>, %arg2: memref<1x3072xf32, #tpu.memory_space<vmem>>, %arg3: memref<16384x3072xf32, #tpu.memory_space<any>>, %arg4: memref<16384x3072xf32, #tpu.memory_space<any>>, %arg5: memref<!tpu.dma_semaphore, #tpu.memory_space<semaphore_mem>>) attributes {dimension_semantics = [], scalar_prefetch = 0 : i64, scratch_operands = 1 : i64, tpu.core_type = #tpu.core_type<tc>} {
    %get3A = arith.constant 0 : index
    %get3A_0 = arith.constant 0 : index
    %get3A_1 = memref.load %arg1[%get3A, %get3A_0] : memref<1x1xi32, #tpu.memory_space<smem>>
    %while3A = arith.constant 0 : i32
    %while3A_2 = arith.constant 0 : i32
    %while3A_3 = arith.subi %get3A_1, %while3A_2 : i32
    %while3A_4 = arith.addi %while3A_2, %while3A_3 : i32
    %while3A_5 = arith.constant 1 : i32
    %while3A_6 = arith.divsi %while3A_3, %while3A_5 : i32
    %while3A_7 = arith.muli %while3A_6, %while3A_5 : i32
    %while3A_8 = arith.addi %while3A_2, %while3A_7 : i32
    %while3A_9 = arith.constant 1 : i32
    scf.for %while3A_21 = %while3A_2 to %while3A_8 step %while3A_9  : i32 {
      %get3A_22 = arith.constant 0 : index
      %get3A_23 = arith.index_cast %while3A_21 : i32 to index
      %get3A_24 = memref.load %arg0[%get3A_22, %get3A_23] : memref<1x256xi32, #tpu.memory_space<smem>>
      %dma_start3A = arith.constant 0 : i32
      %dma_start3A_25 = tpu.memref_slice %arg4[%get3A_24, %dma_start3A] : memref<16384x3072xf32, #tpu.memory_space<any>> -> memref<1x3072xf32, #tpu.memory_space<any>>
      tpu.enqueue_dma source(%arg2 : memref<1x3072xf32, #tpu.memory_space<vmem>>) target(%dma_start3A_25 : memref<1x3072xf32, #tpu.memory_space<any>>) target_semaphore(%arg5 : memref<!tpu.dma_semaphore, #tpu.memory_space<semaphore_mem>>)
    }
    %while3A_10 = arith.constant 1 : i32
    scf.for %while3A_21 = %while3A_8 to %while3A_4 step %while3A_10  : i32 {
      %get3A_22 = arith.constant 0 : index
      %get3A_23 = arith.index_cast %while3A_21 : i32 to index
      %get3A_24 = memref.load %arg0[%get3A_22, %get3A_23] : memref<1x256xi32, #tpu.memory_space<smem>>
      %dma_start3A = arith.constant 0 : i32
      %dma_start3A_25 = tpu.memref_slice %arg4[%get3A_24, %dma_start3A] : memref<16384x3072xf32, #tpu.memory_space<any>> -> memref<1x3072xf32, #tpu.memory_space<any>>
      tpu.enqueue_dma source(%arg2 : memref<1x3072xf32, #tpu.memory_space<vmem>>) target(%dma_start3A_25 : memref<1x3072xf32, #tpu.memory_space<any>>) target_semaphore(%arg5 : memref<!tpu.dma_semaphore, #tpu.memory_space<semaphore_mem>>)
    }
    %while3A_11 = arith.constant 0 : i32
    %while3A_12 = arith.constant 0 : i32
    %while3A_13 = arith.subi %get3A_1, %while3A_12 : i32
    %while3A_14 = arith.addi %while3A_12, %while3A_13 : i32
    %while3A_15 = arith.constant 1 : i32
    %while3A_16 = arith.divsi %while3A_13, %while3A_15 : i32
    %while3A_17 = arith.muli %while3A_16, %while3A_15 : i32
    %while3A_18 = arith.addi %while3A_12, %while3A_17 : i32
    %while3A_19 = arith.constant 1 : i32
    scf.for %while3A_21 = %while3A_12 to %while3A_18 step %while3A_19  : i32 {
      %dma_wait3A = arith.constant 0 : i32
      %dma_wait3A_22 = arith.constant 0 : i32
      %dma_wait3A_23 = tpu.memref_slice %arg4[%dma_wait3A, %dma_wait3A_22] : memref<16384x3072xf32, #tpu.memory_space<any>> -> memref<1x3072xf32, #tpu.memory_space<any>>
      tpu.wait_dma2 semaphore(%arg5 : memref<!tpu.dma_semaphore, #tpu.memory_space<semaphore_mem>>) src(%arg2 : memref<1x3072xf32, #tpu.memory_space<vmem>>) dst(%dma_wait3A_23 : memref<1x3072xf32, #tpu.memory_space<any>>)
    }
    %while3A_20 = arith.constant 1 : i32
    scf.for %while3A_21 = %while3A_18 to %while3A_14 step %while3A_20  : i32 {
      %dma_wait3A = arith.constant 0 : i32
      %dma_wait3A_22 = arith.constant 0 : i32
      %dma_wait3A_23 = tpu.memref_slice %arg4[%dma_wait3A, %dma_wait3A_22] : memref<16384x3072xf32, #tpu.memory_space<any>> -> memref<1x3072xf32, #tpu.memory_space<any>>
      tpu.wait_dma2 semaphore(%arg5 : memref<!tpu.dma_semaphore, #tpu.memory_space<semaphore_mem>>) src(%arg2 : memref<1x3072xf32, #tpu.memory_space<vmem>>) dst(%dma_wait3A_23 : memref<1x3072xf32, #tpu.memory_space<any>>)
    }
    return
  }
}

</mosaic_0001>

<sc_bundles>
// kernel: scatter_offload_async_start
scs
__scs_entry_jumppad:
0x0: {  	(pc) =	sbr.rel $0x88, $3  }
0x1: {  	(tag) =	ssettag $0x0;
	lr =	simm.s32 $0x1  }
0x2: {  	[smem:$0x3FA0] =	sst lr;
	_ =	strace $0xD0000000  }
0x3: {  	_ = 	snop  }
0x4: {  	_ = 	snop  }
0x5: {  	_ = 	snop  }
0x6: {  	_ = 	snop  }
0x7: {  	_ = 	snop  }
__scs_overlays_trampoline_lowered:
0x8: {  	[smem:$0x3FAF] =	sst s0  }
0x9: {  	[smem:$0x3FB0] =	sst s1  }
0xa: {  	[smem:$0x3FB1] =	sst s2  }
0xb: {  	[smem:$0x3FB2] =	sst s3  }
0xc: {  	[smem:$0x3FB3] =	sst s4  }
0xd: {  	[smem:$0x3FB4] =	sst s5  }
0xe: {  	[smem:$0x3FB5] =	sst s6  }
0xf: {  	[smem:$0x3FB6] =	sst s7  }
0x10: {  	[smem:$0x3FB7] =	sst s8  }
0x11: {  	[smem:$0x3FB8] =	sst s9;
	s0 =	simm.s32 @!p0 $0x0  }
0x12: {  	s1 =	sld [smem:$0x3F9E];
	s0 =	simm.s32 @p0 $0x1  }
0x13: {  	[smem:$0x3FB9] =	sst s0;
	s0 =	simm.s32 @!p1 $0x0  }
0x14: {  	s2 =	sld [smem:$0x3F9D];
	s0 =	simm.s32 @p1 $0x1  }
0x15: {  	[smem:$0x3FBA] =	sst s0;
	s0 =	simm.s32 @!p2 $0x0  }
0x16: {  	s3 =	sld [smem:$0x3FDB];
	s0 =	simm.s32 @p2 $0x1  }
0x17: {  	s4 =	simm.s32 $0x1BF5;
	[smem:$0x3FBC] =	sst s0  }
0x18: {  	s0 =	sld [smem:$0x3F9F];
	_ =	swait.ge [sflag:s4], $0x0  }
0x19: {  	s7 =	sld [smem:$0x3FA0]  }
0x1a: {  	s8 =	sadd.s32 $0xFFFFE003, lr  }
0x1b: {  	s9 =	sadd.s32 $0xFFFFFEF7, lr;
	s5 =	simm.s32 $0xFFFFFFFF;
	p2 =	slt.u32 s8, $0xFFFFF086  }
0x1c: {  	p1 =	slt.u32 s9, $0xF7A;
	s5 =	simm.s32 @!p2 $0x0  }
0x1d: {  	s5 =	simm.s32 @p1 $0x1;
	p0 =	seq.s32 s7, s2  }
0x1e: {  	s7 =	smul.u32 @!p0 $0xF7A, s2;
	p2 =	seq.s32 @!p0 s5, $0x0  }
0x1f: {  	s9 =	smul.u32 $0xF7A, s1;
	s8 =	simm.s32 @!p0 $0x1BF5;
	p2 =	por !p2, p0  }
0x20: {  	[sflag:s8] =	ssyncset.s32 @!p0 $0xFFFFF086;
	s6 =	sadd.s32 @!p0 s3, s7;
	s7 =	simm.s32 @!p0 $0x108  }
0x21: {  	s3 =	sadd.s32 s3, s9;
	s6 =	sadd.s32 @!p0 $0x88, s6;
	s7 =	simm.s32 @p2 $0x1082  }
0x22: {  	[simem:s7], [sflag:s8] =	dma.local @!p0 [hbm:s6], $0xF7A  }
0x23: {  	s9 =	sor.u32 $0xD0000000, s2;
	s6 =	simm.s32 $0x108;
	_ =	swait.ge @!p0 [sflag:s8], $0x0  }
0x24: {  	s3 =	sadd.s32 $0x88, s3;
	s6 =	simm.s32 @!p1 $0x1082;
	[sflag:s4] =	ssyncset.s32 $0xFFFFF086  }
0x25: {  	[simem:s6], [sflag:s4] =	dma.local [hbm:s3], $0xF7A  }
0x26: {  	[smem:$0x3FA0] =	sst s1;
	(tag) =	ssettag s2;
	_ =	strace s9  }
0x27: {  	s1 =	sld [smem:$0x3FB0]  }
0x28: {  	s2 =	sld [smem:$0x3FB1]  }
0x29: {  	s4 =	sld [smem:$0x3FB3]  }
0x2a: {  	p0 =	seq.s32 s5, $0x0;
	s5 =	sld [smem:$0x3FB4]  }
0x2b: {  	s6 =	sld [smem:$0x3FB5]  }
0x2c: {  	s7 =	sld [smem:$0x3FB6]  }
0x2d: {  	s3 =	simm.s32 $0x108;
	s8 =	sld [smem:$0x3FB7]  }
0x2e: {  	s3 =	simm.s32 @!p0 $0x1082;
	s9 =	sld [smem:$0x3FB8]  }
0x2f: {  	lr =	sadd.s32 s0, s3;
	s0 =	sld [smem:$0x3FAF]  }
0x30: {  	s3 =	sld [smem:$0x3FB2]  }
0x31: {  	[smem:$0x3FBB] =	sst s10  }
0x32: {  	s10 =	sld [smem:$0x3FB9];
	_ =	sdelay $0x3  }
0x33: {  	p0 =	seq.s32 s10, $0x1;
	s10 =	sld [smem:$0x3FBB];
	_ =	sdelay $0x3  }
0x34: {  	[smem:$0x3FBB] =	sst s10  }
0x35: {  	s10 =	sld [smem:$0x3FBA];
	_ =	sdelay $0x3  }
0x36: {  	p1 =	seq.s32 s10, $0x1;
	s10 =	sld [smem:$0x3FBB];
	_ =	sdelay $0x3  }
0x37: {  	[smem:$0x3FBB] =	sst s10  }
0x38: {  	s10 =	sld [smem:$0x3FBC]  }
0x39: {  	_ = 	snop;
	(pc) =	sbr.ind lr, $3  }
0x3a: {  	_ = 	snop  }
0x3b: {  	_ = 	snop  }
0x3c: {  	p2 =	seq.s32 s10, $0x1;
	s10 =	sld [smem:$0x3FBB]  }
0x3d: {  	_ =	shalt  }
0x3e: {  	_ =	shalt  }
0x3f: {  	_ =	shalt  }
0x40: {  	_ =	shalt  }
0x41: {  	_ =	shalt  }
0x42: {  	_ =	shalt  }
0x43: {  	_ =	shalt  }
0x44: {  	_ =	shalt  }
0x45: {  	_ =	shalt  }
0x46: {  	_ =	shalt  }
0x47: {  	_ =	shalt  }
0x48: {  	_ =	shalt  }
0x49: {  	_ =	shalt  }
0x4a: {  	_ =	shalt  }
0x4b: {  	_ =	shalt  }
0x4c: {  	_ =	shalt  }
0x4d: {  	_ =	shalt  }
0x4e: {  	_ =	shalt  }
0x4f: {  	_ =	shalt  }
0x50: {  	_ =	shalt  }
0x51: {  	_ =	shalt  }
0x52: {  	_ =	shalt  }
0x53: {  	_ =	shalt  }
0x54: {  	_ =	shalt  }
0x55: {  	_ =	shalt  }
0x56: {  	_ =	shalt  }
0x57: {  	_ =	shalt  }
0x58: {  	_ =	shalt  }
0x59: {  	_ =	shalt  }
0x5a: {  	_ =	shalt  }
0x5b: {  	_ =	shalt  }
0x5c: {  	_ =	shalt  }
0x5d: {  	_ =	shalt  }
0x5e: {  	_ =	shalt  }
0x5f: {  	_ =	shalt  }
0x60: {  	_ =	shalt  }
0x61: {  	_ =	shalt  }
0x62: {  	_ =	shalt  }
0x63: {  	_ =	shalt  }
0x64: {  	_ =	shalt  }
0x65: {  	_ =	shalt  }
0x66: {  	_ =	shalt  }
0x67: {  	_ =	shalt  }
0x68: {  	_ =	shalt  }
0x69: {  	_ =	shalt  }
0x6a: {  	_ =	shalt  }
0x6b: {  	_ =	shalt  }
0x6c: {  	_ =	shalt  }
0x6d: {  	_ =	shalt  }
0x6e: {  	_ =	shalt  }
0x6f: {  	_ =	shalt  }
0x70: {  	_ =	shalt  }
0x71: {  	_ =	shalt  }
0x72: {  	_ =	shalt  }
0x73: {  	_ =	shalt  }
0x74: {  	_ =	shalt  }
0x75: {  	_ =	shalt  }
0x76: {  	_ =	shalt  }
0x77: {  	_ =	shalt  }
0x78: {  	_ =	shalt  }
0x79: {  	_ =	shalt  }
0x7a: {  	_ =	shalt  }
0x7b: {  	_ =	shalt  }
0x7c: {  	_ =	shalt  }
0x7d: {  	_ =	shalt  }
0x7e: {  	_ =	shalt  }
0x7f: {  	_ =	shalt  }
0x80: {  	_ =	shalt  }
0x81: {  	_ =	shalt  }
0x82: {  	_ =	shalt  }
0x83: {  	_ =	shalt  }
0x84: {  	_ =	shalt  }
0x85: {  	_ =	shalt  }
0x86: {  	_ =	shalt  }
0x87: {  	_ =	shalt  }
.Lfunc_end0:
.L_simem_size_0:
called_computation_lowered:
.L_overlay_start_0:
0x88: {  	s0 =	sld [smem:$0x3FD9]  }
0x89: {  	s1 =	sld [smem:$0x3FFE];
	_ =	sdelay $0x3  }
0x8a: {  	s0 =	sadd.s32 s1, s0  }
0x8b: {  	[smem:$0x3FC7] =	sst s0  }
0x8c: {  	_ = 	snop  }
0x8d: {  	(tm) =	ssettm $0x1  }
0x8e: {  	s15 =	sld [smem:$0x3FFB];
	_ =	sdelay $0x3  }
0x8f: {  	_ =	strace s15  }
0x90: {  	s0 =	sld [smem:$0x3FFC];
	_ =	sdelay $0x3  }
0x91: {  	_ =	strace s0  }
0x92: {  	s0 =	sld [smem:$0x3FFD];
	_ =	sdelay $0x3  }
0x93: {  	_ =	strace s0  }
0x94: {  	_ =	strace $0x8FFFFFFF  }
0x95: {  	s16 =	sld [smem:$0x3FDB];
	_ =	sdelay $0x1  }
0x96: {  	s17 =	simm.s32 $_scs_section_size  }
0x97: {  	s2 =	simm.s32 $_size__tile_overlayer_lowered;
	s3 =	simm.s32 $_tile_overlayer_lowered  }
0x98: {  	s20 =	simm.s32 $0x1BFF;
	s19 =	sshll.u32 s3, $0x1;
	s0 =	sadd.s32 s17, s16  }
0x99: {  	s4 =	simm.s32 $0x0;
	s18 =	sshll.u32 s2, $0x1;
	s2 =	sadd.s32 s19, s0  }
0x9a: {  	[timem:s4], [sflag:s20] =	dma.local [hbm:s2], s18  }
0x9b: {  	_ =	swait.ge [sflag:s20], s18  }
0x9c: {  	s1 =	ssub.s32 $0x0, s18;
	[sflag:s20] =	ssyncset.done $0x0  }
0x9d: {  	[sflag:s20] =	ssyncadd.s32 s1;
	_ =	sdelay $0x1  }
0x9e: {  	s21 =	simm.s32 $0x1B8B  }
0x9f: {  	_ =	swait.ge [sflag:s21], $0x1  }
0xa0: {  	[sflag:s21] =	ssyncset.done $0x0  }
0xa1: {  	s23 =	simm.s32 $0x1B8E;
	s22 =	sld [smem:$0x3FFE];
	[sflag:s21] =	ssyncadd.s32 $0xFFFFFFFF  }
0xa2: {  	s24 =	simm.s32 $execute0_lowered;
	[smem:$0x3FD2] =	sst s23  }
0xa3: {  	s2 =	sshll.u32 s24, $0x1;
	_ =	strace $0x80000046;
	[dreg:$0x1] =	wrdreg $0xFFFFFFFF  }
0xa4: {  	s25 =	simm.s32 $_size_execute0_lowered;
	s0 =	sadd.s32 s0, s2;
	[dreg:$0x0] =	wrdreg $0x0  }
0xa5: {  	s2 =	sshll.u32 s25, $0x1;
	[dreg:$0x2] =	wrdreg s0  }
0xa6: {  	[dreg:$0x3] =	wrdreg s2  }
0xa7: {  	[dreg:$0x4] =	wrdreg $0xC0  }
0xa8: {  	_ =	task [dreg:s4], $0x5FFFF  }
0xa9: {  	[dreg:$0x1] =	wrdreg $0xFFFFFFFF  }
0xaa: {  	[dreg:$0x0] =	wrdreg $0x60  }
0xab: {  	[dreg:$0x2] =	wrdreg s22  }
0xac: {  	[dreg:$0x3] =	wrdreg $0x9  }
0xad: {  	_ =	task.clear_ibuf [dreg:s4], $0x4FFFF;
	_ =	strace $0x90000046  }
0xae: {  	s26 =	simm.s32 $0x9;
	_ =	strace $0x80000048  }
0xaf: {  	_ =	swait.ge [sflag:s26], $0x1  }
0xb0: {  	[sflag:s26] =	ssyncadd.s32 $0xFFFFFFFF  }
0xb1: {  	_ =	strace $0x90000048  }
0xb2: {  	_ =	sfence  }
0xb3: {  	s28 =	sld [smem:$0x0];
	_ =	sdelay $0x1  }
0xb4: {  	s29 =	srdreg.scid  }
0xb5: {  	s30 =	sshll.u32 s29, $0xD;
	s31 =	sshrl.u32 s29, $0x2  }
0xb6: {  	s1 =	sand.u32 $0x1, s29;
	s2 =	sand.u32 $0x4000, s30;
	s0 =	sadd.s32 s31, s28  }
0xb7: {  	s1 =	sor.u32 s2, s1;
	s0 =	sshll.u32 s0, $0x11  }
0xb8: {  	s0 =	sor.u32 s0, s1  }
0xb9: {  	s0 =	sadd.s32 $0x8F2B, s0  }
0xba: {  	[sflag:s0] =	ssyncadd.remote.s32 $0x1  }
0xbb: {  	_ =	sfence.sel $0xFFFF  }
0xbc: {  	[dreg:$0x0] =	wrdreg $0xFFFFFFFF;
	(pc) =	sbr.abs _section_cstart, $3  }
0xbd: {  	[dreg:$0x1] =	wrdreg $0xFFFFFFFF  }
0xbe: {  	_ =	task.clear_ibuf [dreg:s4], $0x2FFFF;
	_ =	strace $0x9FFFFFFF  }
0xbf: {  	(tm) =	ssettm $0x7FFFFFFF  }
tec
execute0_lowered:
.L_overlay_start_1:
0x0: {  	(tag) =	ssettag $0x1  }
0x1: {  	s1 =	rddreg [dreg:$0x0]  }
0x2: {  	s0 =	rddreg [dreg:$0x1];
	s2 =	stileid.u32  }
0x3: {  	_ =	strace $0x80000047;
	s3 =	simm.s32 $0x3E;
	p0 =	sne.s32 s2, $0x0  }
0x4: {  	[sflag:s3] =	ssyncpa.u1 $0x0;
	s4 =	simm.s32 @!p0 $0x1C3E;
	s5 =	simm.s32 @!p0 $0x0  }
0x5: {  	[spmem:s5], [sflag:s4] =	dma.local @!p0 [hbm:s1], $0x20  }
0x6: {  	s4 =	simm.s32 @!p0 $0x3E  }
0x7: {  	_ =	swait.ge @!p0 [sflag:s4], $0x20  }
0x8: {  	[sflag:s4] =	ssyncset.done @!p0 $0x0  }
0x9: {  	s28 =	simm.s32 $0x1;
	[sflag:s4] =	ssyncadd.s32 @!p0 $0xFFFFFFE0  }
0xa: {  	s30 =	simm.s32 $0x2;
	s7 =	simm.s32 $0x410;
	[bflag:$0x0] =	sbarrier.arrive $0xFFFF  }
0xb: {  	s29 =	sadd.s32 $0x800, s1;
	s31 =	sadd.s32 $0x1000, s1;
	[sflag:s3] =	ssyncpa.u1 $0x1  }
0xc: {  	s6 =	sshll.u32 s2, $0x7;
	s2 =	simm.s32 $0x0;
	[sflag:s28] =	ssyncpa.u1 $0x0  }
0xd: {  	s3 =	sadd.s32 s29, s6;
	(ifvalue) =	ssetifvalue $0x100;
	[sflag:s30] =	ssyncpa.u1 $0x0  }
0xe: {  	[tilespmem:s7], [sflag:$0x2] =	stream.linear.gather [hbm4b:s3+s2], $0x400, $0x38;
	[tilespmem:$0x1010] =	vst v63  }
0xf: {  	s5 =	sadd.s32 s31, s6;
	s3 =	simm.s32 $0xC10  }
0x10: {  	[tilespmem:s3], [sflag:$0x2] =	stream.linear.gather [hbm4b:s5+s2], $0x400, $0x38;
	[tilespmem:$0x1010] =	vst v63  }
0x11: {  	_ =	swait.ge [sflag:s30], $0x800  }
0x12: {  	[sflag:s30] =	ssyncset.done $0x0  }
0x13: {  	[sflag:s30] =	ssyncadd.s32 $0xFFFFF800  }
0x14: {  	v0 =	vld.msk [tilespmem:s7+$0x0 ss:$0x1], $0xffff;
	_ =	sdelay $0x4  }
0x15: {  	v0 =	vmin.u32 v0, $0x100;
	_ =	sdelay $0x3  }
0x16: {  	vm0 =	vmmov $0xffff;
	s4 =	simm.s32 $0x0;
	s5 =	simm.s32 $0x420  }
0x17: {  	[spmem:s2] =	stream.indirect_vreg.scatter.add.s32 [tilespmem:s3], [sflag:$0x1], $0x1, v0, vm0, $0x4038;
	[tilespmem:$0x1010] =	vst v63  }
.LBB2_1:
0x18: {  	v0 =	vld.msk [tilespmem:s5+$0x0 ss:$0x1], $0xffff;
	s4 =	sadd.s32 $0x10, s4  }
0x19: {  	p1 =	slt.u32 s4, $0x3F0;
	_ =	sdelay $0x4  }
0x1a: {  	v0 =	vmin.u32 v0, $0x100  }
.Ltmp0:
0x1b: {  	(pc) =	sbr.rel @p1 .LBB2_1-.Ltmp0, $3  }
0x1c: {  	_ =	sdelay $0x1  }
0x1d: {  	s5 =	sadd.s32 $0x10, s5;
	s3 =	sadd.s32 $0x10, s3  }
0x1e: {  	[spmem:s2] =	stream.indirect_vreg.scatter.add.s32 [tilespmem:s3], [sflag:$0x1], $0x1, v0, vm0, $0x4038;
	[tilespmem:$0x1010] =	vst v63  }
0x1f: {  	s2 =	simm.s32 $0x1  }
0x20: {  	_ =	swait.ge [sflag:s2], $0x400  }
0x21: {  	[sflag:s2] =	ssyncset.done $0x0  }
0x22: {  	[sflag:s2] =	ssyncadd.s32 $0xFFFFFC00  }
0x23: {  	_ =	sfence.sel $0x180000  }
0x24: {  	s3 =	simm.s32 $0x2;
	[bflag:$0x0] =	sbarrier.arrive $0xFFFF  }
0x25: {  	[sflag:s3] =	ssyncpa.u1 $0x1  }
0x26: {  	[sflag:s2] =	ssyncpa.u1 $0x1  }
0x27: {  	_ =	sfence.stream.spmem  }
0x28: {  	s31 =	simm.s32 $0x3D;
	[bflag:$0x0] =	sbarrier.arrive $0xFFFF  }
0x29: {  	s2 =	simm.s32 @p0 $0x3D;
	[sflag:s31] =	ssyncpa.u1 $0x0  }
0x2a: {  	[sflag:s2] =	ssyncpa.u1 @p0 $0x1  }
0x2b: {  	[bflag:$0x0] =	sbarrier.arrive @p0 $0xFFFF  }
0x2c: {  	_ =	strace @p0 $0x90000047  }
0x2d: {  	s3 =	simm.s32 @!p0 $0x1C3D;
	s2 =	simm.s32 @!p0 $0x0;
	[bflag:$0x2] =	sbarrier.arrive @p0 $0xFFFF  }
0x2e: {  	[hbm:s1], [sflag:s3] =	dma.local @!p0 [spmem:s2], $0x20  }
0x2f: {  	s1 =	simm.s32 @!p0 $0x3D  }
0x30: {  	_ =	swait.ge @!p0 [sflag:s1], $0x20  }
0x31: {  	[sflag:s1] =	ssyncset.done @!p0 $0x0  }
0x32: {  	[sflag:s1] =	ssyncadd.s32 @!p0 $0xFFFFFFE0  }
0x33: {  	[sflag:s1] =	ssyncpa.u1 @!p0 $0x1  }
0x34: {  	[bflag:$0x0] =	sbarrier.arrive @!p0 $0xFFFF  }
0x35: {  	_ =	strace @!p0 $0x90000047  }
0x36: {  	s0 =	sadd.s32 @!p0 $0x100000, s0;
	[bflag:$0x2] =	sbarrier.arrive @!p0 $0xFFFF  }
0x37: {  	[sflag:s0] =	ssyncadd.tile.s32 @!p0 $0x1;
	_ =	shalt  }
.Lfunc_end2:
_tile_overlayer_lowered:
.L_overlay_start_2:
0x38: {  	(tag) =	ssettag $0x2  }
0x39: {  	s0 =	rddreg [dreg:$0x0];
	s2 =	stileid.u32  }
0x3a: {  	s1 =	rddreg [dreg:$0x1];
	p0 =	sne.s32 s2, $0x0  }
0x3b: {  	s3 =	rddreg [dreg:$0x2];
	[bflag:$0x3] =	sbarrier.arrive $0xFFFF;
	s2 =	simm.s32 @!p0 $0x1C01  }
0x3c: {  	[timem:s3], [sflag:s2] =	dma.local @!p0 [hbm:s0], s1  }
0x3d: {  	s0 =	simm.s32 @!p0 $0x1  }
0x3e: {  	_ =	swait.ge @!p0 [sflag:s0], s1  }
0x3f: {  	s1 =	ssub.s32 @!p0 $0x0, s1;
	[sflag:s0] =	ssyncset.done @!p0 $0x0  }
0x40: {  	[sflag:s0] =	ssyncadd.s32 @!p0 s1  }
0x41: {  	[bflag:$0x3] =	sbarrier.arrive $0xFFFF  }
0x42: {  	_ =	shalt  }

</sc_bundles>
